<compile_context>
chip_gen: v7x
topology: tpu7x:2x2x1
jax: 0.10.2.dev20260603
libtpu: 0.0.44.dev20260713+nightly
codegen_flags: <defaults>
</compile_context>

<pallas_src>
import functools

import jax
import jax.numpy as jnp
from jax import lax
from jax.experimental import pallas as pl
from jax.experimental.pallas import tpu as pltpu
from jax.experimental.pallas import tpu_sc as plsc

_N_CODES = 8192
_DIM = 64
_BLK_M = 512
_BLK_N = 2048


def _dist_argmin_body(z_ref, w_ref, idx_ref, loss_ref):
    i = pl.program_id(0)
    zb = z_ref[...]
    zsq = jnp.sum(zb * zb, axis=1, keepdims=True)
    zb2 = (2.0 * zb).astype(jnp.bfloat16)
    state = jnp.full((_BLK_M, 1), jnp.inf, jnp.float32)
    best_val = jnp.zeros((_BLK_M, 1), jnp.float32)
    best_idx = jnp.zeros((_BLK_M, 1), jnp.int32)
    for j in range(_N_CODES // _BLK_N):
        wj = w_ref[pl.ds(j * _BLK_N, _BLK_N), :]
        m2 = lax.dot_general(zb2, wj.astype(jnp.bfloat16),
                             (((1,), (1,)), ((), ())),
                             preferred_element_type=jnp.float32)
        wsq = jnp.sum(wj * wj, axis=1)
        d = (zsq - m2) + wsq[None, :]
        cmin = jnp.min(d, axis=1, keepdims=True)
        ids = lax.broadcasted_iota(jnp.int32, (_BLK_M, _BLK_N), 1) + (j * _BLK_N)
        carg = jnp.min(jnp.where(d == cmin, ids, jnp.int32(2**30)),
                       axis=1, keepdims=True)
        better = cmin < state
        state = jnp.where(better, cmin.astype(jnp.bfloat16).astype(jnp.float32),
                          state)
        best_val = jnp.where(better, cmin, best_val)
        best_idx = jnp.where(better, carg, best_idx)
    idx_ref[...] = best_idx

    @pl.when(i == 0)
    def _():
        loss_ref[...] = jnp.zeros((1, 1), jnp.float32)

    loss_ref[...] += jnp.sum(best_val, axis=(0, 1), keepdims=True)

    @pl.when(i == pl.num_programs(0) - 1)
    def _():
        loss_ref[...] = loss_ref[...] * (2.0 / (_N_CODES * _DIM))


def _dist_argmin(zf, weight, interpret=False):
    grid = (zf.shape[0] // _BLK_M,)
    return pl.pallas_call(
        _dist_argmin_body,
        grid=grid,
        in_specs=[
            pl.BlockSpec((_BLK_M, _DIM), lambda i: (i, 0)),
            pl.BlockSpec((_N_CODES, _DIM), lambda i: (0, 0)),
        ],
        out_specs=[
            pl.BlockSpec((_BLK_M, 1), lambda i: (i, 0)),
            pl.BlockSpec((1, 1), lambda i: (0, 0)),
        ],
        out_shape=[
            jax.ShapeDtypeStruct((zf.shape[0], 1), jnp.int32),
            jax.ShapeDtypeStruct((1, 1), jnp.float32),
        ],
        interpret=interpret,
    )(zf, weight)


def _sc_gather(weight, idx):
    info = plsc.get_sparse_core_info()
    nc, ns = info.num_cores, info.num_subcores
    nw = nc * ns
    b = idx.shape[0]
    b_per_w = b // nw
    ch = min(128, b_per_w)
    nch = b_per_w // ch
    mesh = plsc.VectorSubcoreMesh(core_axis_name="c", subcore_axis_name="s")

    @functools.partial(
        pl.kernel,
        out_type=jax.ShapeDtypeStruct((b, _DIM), jnp.float32),
        mesh=mesh,
        scratch_types=[
            pltpu.VMEM((ch,), jnp.int32),
            pltpu.VMEM((ch, _DIM), jnp.float32),
            pltpu.SemaphoreType.DMA,
        ],
        compiler_params=pltpu.CompilerParams(use_tc_tiling_on_sc=False),
    )
    def gather_kernel(table_hbm, idx_hbm, out_hbm, idx_v, rows_v, sem):
        wid = lax.axis_index("s") * nc + lax.axis_index("c")
        base = wid * b_per_w
        for j in range(nch):
            off = base + j * ch
            pltpu.sync_copy(idx_hbm.at[pl.ds(off, ch)], idx_v)
            pltpu.async_copy(table_hbm.at[idx_v], rows_v, sem).wait()
            pltpu.sync_copy(rows_v, out_hbm.at[pl.ds(off, ch)])

    return gather_kernel(weight, idx)


def kernel(z, weight):
    zf = z.reshape(-1, _DIM)
    idx2d, loss = _dist_argmin(zf, weight)
    idx = idx2d.reshape(zf.shape[0])
    code = _sc_gather(weight, idx)
    return (code.reshape(z.shape), loss[0, 0], idx.reshape(z.shape[:-1]))

# --- scband reference (transcript-rebuilt; emitter-appended) ---
"""Pipeline reference for scband-codebook-59236188946702 (READ-ONLY COPY).

The authoritative reference and input builder live on the scoring server;
editing this copy changes nothing except your own understanding.
"""

import jax, jax.numpy as jnp
import numpy as np

CODEBOOK_SIZE = 8192
CODE_DIM = 64

def setup_inputs(seed: int = 0) -> dict:
    key = jax.random.key(seed)
    k1, k2 = jax.random.split(key)
    z = jax.random.normal(k1, (8, 1024, CODE_DIM), dtype=jnp.float32)
    weight = jax.random.uniform(k2, (CODEBOOK_SIZE, CODE_DIM), dtype=jnp.float32,
                                minval=-1.0 / CODEBOOK_SIZE, maxval=1.0 / CODEBOOK_SIZE)
    return {"z": z, "weight": weight}

def reference(z, weight):
    flattened_z = z.reshape(-1, CODE_DIM)
    distances = (flattened_z ** 2).sum(axis=1, keepdims=True) \
        - 2.0 * flattened_z @ weight.T \
        + (weight.T ** 2).sum(axis=0, keepdims=True)
    encoding_indices = jnp.argmin(distances, axis=1)
    encoding_indices = encoding_indices.reshape(z.shape[:-1])
    code = jnp.take(weight, encoding_indices, axis=0).reshape(z.shape)
    loss = jnp.mean((jax.lax.stop_gradient(code) - z) ** 2) \
        + jnp.mean((code - jax.lax.stop_gradient(z)) ** 2)
    return (code, loss, encoding_indices)

if __name__ == "__main__":
    import jax
    _d = setup_inputs()
    print(jax.jit(kernel)(*tuple(_d.values())))

</pallas_src>

<mosaic_0001>
#map = affine_map<(d0, d1) -> (0, 0)>
#map1 = affine_map<(d0, d1) -> (0)>
module attributes {stable_mosaic.version = 14 : i64} {
  func.func @gather_kernel(%arg0: i32, %arg1: i32, %arg2: memref<8192x64xf32, #tpu.memory_space<hbm>>, %arg3: memref<8192xi32, #tpu.memory_space<hbm>>, %arg4: memref<8192x64xf32, #tpu.memory_space<hbm>>, %arg5: memref<128xi32, #tpu.memory_space<vmem>>, %arg6: memref<128x64xf32, #tpu.memory_space<vmem>>, %arg7: memref<!tpu.dma_semaphore, #tpu.memory_space<semaphore_mem>>) attributes {dimension_semantics = [#tpu.dimension_semantics<core_parallel>, #tpu.dimension_semantics<subcore_parallel>], iteration_bounds = array<i64: 2, 16>, scalar_prefetch = 0 : i64, scratch_operands = 3 : i64, tpu.core_type = #tpu.core_type<sc_vector_subcore>, window_params = [{transform_indices = #map}, {transform_indices = #map1}, {transform_indices = #map}]} {
    %mul3A = arith.constant 2 : i32
    %mul3A_0 = arith.muli %arg1, %mul3A : i32
    %add3A = arith.addi %mul3A_0, %arg0 : i32
    %mul3A_1 = arith.constant 256 : i32
    %mul3A_2 = arith.muli %add3A, %mul3A_1 : i32
    %add3A_3 = arith.constant 0 : i32
    %add3A_4 = arith.addi %mul3A_2, %add3A_3 : i32
    "tpu.region"() ({
      %run_scoped3A = tpu.sem_alloc : memref<!tpu.dma_semaphore, #tpu.memory_space<semaphore_mem>>
      %dma_start3A_17 = tpu.memref_slice %arg3[%add3A_4] : memref<8192xi32, #tpu.memory_space<hbm>> -> memref<128xi32, #tpu.memory_space<hbm>>
      %dma_start3A_18 = tpu.memref_slice %arg3[%add3A_4] : memref<8192xi32, #tpu.memory_space<hbm>> -> memref<128xi32, #tpu.memory_space<hbm>>
      tpu.enqueue_dma source(%dma_start3A_18 : memref<128xi32, #tpu.memory_space<hbm>>) target(%arg5 : memref<128xi32, #tpu.memory_space<vmem>>) target_semaphore(%run_scoped3A : memref<!tpu.dma_semaphore, #tpu.memory_space<semaphore_mem>>)
      %dma_wait3A_19 = tpu.memref_slice %arg3[%add3A_4] : memref<8192xi32, #tpu.memory_space<hbm>> -> memref<128xi32, #tpu.memory_space<hbm>>
      %dma_wait3A_20 = tpu.memref_slice %arg3[%add3A_4] : memref<8192xi32, #tpu.memory_space<hbm>> -> memref<128xi32, #tpu.memory_space<hbm>>
      tpu.wait_dma2 semaphore(%run_scoped3A : memref<!tpu.dma_semaphore, #tpu.memory_space<semaphore_mem>>) src(%dma_wait3A_20 : memref<128xi32, #tpu.memory_space<hbm>>) dst(%arg5 : memref<128xi32, #tpu.memory_space<vmem>>)
      tpu.yield
    }) : () -> ()
    %dma_start3A = arith.constant 0 : i32
    %dma_start3A_5 = arith.constant 0 : i32
    %dma_start3A_6 = tpu.memref_slice %arg2[%dma_start3A, %dma_start3A_5] : memref<8192x64xf32, #tpu.memory_space<hbm>> -> memref<8192x64xf32, #tpu.memory_space<hbm>>
    tpu.enqueue_indirect_dma source(%dma_start3A_6 : memref<8192x64xf32, #tpu.memory_space<hbm>>) target(%arg6 : memref<128x64xf32, #tpu.memory_space<vmem>>) offsets(%arg5 : memref<128xi32, #tpu.memory_space<vmem>>) semaphore(%arg7 : memref<!tpu.dma_semaphore, #tpu.memory_space<semaphore_mem>>)
    %dma_wait3A = arith.constant 0 : i32
    %dma_wait3A_7 = arith.constant 0 : i32
    %dma_wait3A_8 = tpu.memref_slice %arg2[%dma_wait3A, %dma_wait3A_7] : memref<8192x64xf32, #tpu.memory_space<hbm>> -> memref<8192x64xf32, #tpu.memory_space<hbm>>
    tpu.wait_indirect_dma semaphore(%arg7 : memref<!tpu.dma_semaphore, #tpu.memory_space<semaphore_mem>>) src(%dma_wait3A_8 : memref<8192x64xf32, #tpu.memory_space<hbm>>) dst(%arg6 : memref<128x64xf32, #tpu.memory_space<vmem>>)
    "tpu.region"() ({
      %run_scoped3A = tpu.sem_alloc : memref<!tpu.dma_semaphore, #tpu.memory_space<semaphore_mem>>
      %dma_start3A_17 = arith.constant 0 : i32
      %dma_start3A_18 = tpu.memref_slice %arg4[%add3A_4, %dma_start3A_17] : memref<8192x64xf32, #tpu.memory_space<hbm>> -> memref<128x64xf32, #tpu.memory_space<hbm>>
      %dma_start3A_19 = arith.constant 0 : i32
      %dma_start3A_20 = tpu.memref_slice %arg4[%add3A_4, %dma_start3A_19] : memref<8192x64xf32, #tpu.memory_space<hbm>> -> memref<128x64xf32, #tpu.memory_space<hbm>>
      tpu.enqueue_dma source(%arg6 : memref<128x64xf32, #tpu.memory_space<vmem>>) target(%dma_start3A_20 : memref<128x64xf32, #tpu.memory_space<hbm>>) target_semaphore(%run_scoped3A : memref<!tpu.dma_semaphore, #tpu.memory_space<semaphore_mem>>)
      %dma_wait3A_21 = arith.constant 0 : i32
      %dma_wait3A_22 = tpu.memref_slice %arg4[%add3A_4, %dma_wait3A_21] : memref<8192x64xf32, #tpu.memory_space<hbm>> -> memref<128x64xf32, #tpu.memory_space<hbm>>
      %dma_wait3A_23 = arith.constant 0 : i32
      %dma_wait3A_24 = tpu.memref_slice %arg4[%add3A_4, %dma_wait3A_23] : memref<8192x64xf32, #tpu.memory_space<hbm>> -> memref<128x64xf32, #tpu.memory_space<hbm>>
      tpu.wait_dma2 semaphore(%run_scoped3A : memref<!tpu.dma_semaphore, #tpu.memory_space<semaphore_mem>>) src(%arg6 : memref<128x64xf32, #tpu.memory_space<vmem>>) dst(%dma_wait3A_24 : memref<128x64xf32, #tpu.memory_space<hbm>>)
      tpu.yield
    }) : () -> ()
    %add3A_9 = arith.constant 128 : i32
    %add3A_10 = arith.addi %mul3A_2, %add3A_9 : i32
    "tpu.region"() ({
      %run_scoped3A = tpu.sem_alloc : memref<!tpu.dma_semaphore, #tpu.memory_space<semaphore_mem>>
      %dma_start3A_17 = tpu.memref_slice %arg3[%add3A_10] : memref<8192xi32, #tpu.memory_space<hbm>> -> memref<128xi32, #tpu.memory_space<hbm>>
      %dma_start3A_18 = tpu.memref_slice %arg3[%add3A_10] : memref<8192xi32, #tpu.memory_space<hbm>> -> memref<128xi32, #tpu.memory_space<hbm>>
      tpu.enqueue_dma source(%dma_start3A_18 : memref<128xi32, #tpu.memory_space<hbm>>) target(%arg5 : memref<128xi32, #tpu.memory_space<vmem>>) target_semaphore(%run_scoped3A : memref<!tpu.dma_semaphore, #tpu.memory_space<semaphore_mem>>)
      %dma_wait3A_19 = tpu.memref_slice %arg3[%add3A_10] : memref<8192xi32, #tpu.memory_space<hbm>> -> memref<128xi32, #tpu.memory_space<hbm>>
      %dma_wait3A_20 = tpu.memref_slice %arg3[%add3A_10] : memref<8192xi32, #tpu.memory_space<hbm>> -> memref<128xi32, #tpu.memory_space<hbm>>
      tpu.wait_dma2 semaphore(%run_scoped3A : memref<!tpu.dma_semaphore, #tpu.memory_space<semaphore_mem>>) src(%dma_wait3A_20 : memref<128xi32, #tpu.memory_space<hbm>>) dst(%arg5 : memref<128xi32, #tpu.memory_space<vmem>>)
      tpu.yield
    }) : () -> ()
    %dma_start3A_11 = arith.constant 0 : i32
    %dma_start3A_12 = arith.constant 0 : i32
    %dma_start3A_13 = tpu.memref_slice %arg2[%dma_start3A_11, %dma_start3A_12] : memref<8192x64xf32, #tpu.memory_space<hbm>> -> memref<8192x64xf32, #tpu.memory_space<hbm>>
    tpu.enqueue_indirect_dma source(%dma_start3A_13 : memref<8192x64xf32, #tpu.memory_space<hbm>>) target(%arg6 : memref<128x64xf32, #tpu.memory_space<vmem>>) offsets(%arg5 : memref<128xi32, #tpu.memory_space<vmem>>) semaphore(%arg7 : memref<!tpu.dma_semaphore, #tpu.memory_space<semaphore_mem>>)
    %dma_wait3A_14 = arith.constant 0 : i32
    %dma_wait3A_15 = arith.constant 0 : i32
    %dma_wait3A_16 = tpu.memref_slice %arg2[%dma_wait3A_14, %dma_wait3A_15] : memref<8192x64xf32, #tpu.memory_space<hbm>> -> memref<8192x64xf32, #tpu.memory_space<hbm>>
    tpu.wait_indirect_dma semaphore(%arg7 : memref<!tpu.dma_semaphore, #tpu.memory_space<semaphore_mem>>) src(%dma_wait3A_16 : memref<8192x64xf32, #tpu.memory_space<hbm>>) dst(%arg6 : memref<128x64xf32, #tpu.memory_space<vmem>>)
    "tpu.region"() ({
      %run_scoped3A = tpu.sem_alloc : memref<!tpu.dma_semaphore, #tpu.memory_space<semaphore_mem>>
      %dma_start3A_17 = arith.constant 0 : i32
      %dma_start3A_18 = tpu.memref_slice %arg4[%add3A_10, %dma_start3A_17] : memref<8192x64xf32, #tpu.memory_space<hbm>> -> memref<128x64xf32, #tpu.memory_space<hbm>>
      %dma_start3A_19 = arith.constant 0 : i32
      %dma_start3A_20 = tpu.memref_slice %arg4[%add3A_10, %dma_start3A_19] : memref<8192x64xf32, #tpu.memory_space<hbm>> -> memref<128x64xf32, #tpu.memory_space<hbm>>
      tpu.enqueue_dma source(%arg6 : memref<128x64xf32, #tpu.memory_space<vmem>>) target(%dma_start3A_20 : memref<128x64xf32, #tpu.memory_space<hbm>>) target_semaphore(%run_scoped3A : memref<!tpu.dma_semaphore, #tpu.memory_space<semaphore_mem>>)
      %dma_wait3A_21 = arith.constant 0 : i32
      %dma_wait3A_22 = tpu.memref_slice %arg4[%add3A_10, %dma_wait3A_21] : memref<8192x64xf32, #tpu.memory_space<hbm>> -> memref<128x64xf32, #tpu.memory_space<hbm>>
      %dma_wait3A_23 = arith.constant 0 : i32
      %dma_wait3A_24 = tpu.memref_slice %arg4[%add3A_10, %dma_wait3A_23] : memref<8192x64xf32, #tpu.memory_space<hbm>> -> memref<128x64xf32, #tpu.memory_space<hbm>>
      tpu.wait_dma2 semaphore(%run_scoped3A : memref<!tpu.dma_semaphore, #tpu.memory_space<semaphore_mem>>) src(%arg6 : memref<128x64xf32, #tpu.memory_space<vmem>>) dst(%dma_wait3A_24 : memref<128x64xf32, #tpu.memory_space<hbm>>)
      tpu.yield
    }) : () -> ()
    return
  }
}

module attributes {stable_mosaic.version = 14 : i64} {
  func.func @_dist_argmin_body(%arg0: i32, %arg1: memref<512x64xf32, #tpu.memory_space<vmem>>, %arg2: memref<8192x64xf32, #tpu.memory_space<vmem>>, %arg3: memref<512x1xi32, #tpu.memory_space<vmem>>, %arg4: memref<1x1xf32, #tpu.memory_space<vmem>>) attributes {dimension_semantics = [#tpu.dimension_semantics<arbitrary>], iteration_bounds = array<i64: 16>, scalar_prefetch = 0 : i64, scratch_operands = 0 : i64, tpu.core_type = #tpu.core_type<tc>, window_params = [{transform_indices = @transform_0, window_bounds = array<i64: 512, 64>}, {pipeline_mode = #tpu.pipeline_mode<synchronous>, transform_indices = @transform_1, window_bounds = array<i64: 8192, 64>}, {transform_indices = @transform_2, window_bounds = array<i64: 512, 1>}, {pipeline_mode = #tpu.pipeline_mode<synchronous>, transform_indices = @transform_3, window_bounds = array<i64: 1, 1>}]} {
    %get3A = arith.constant 0 : index
    %get3A_0 = arith.constant 0 : index
    %get3A_1 = vector.load %arg1[%get3A, %get3A_0] : memref<512x64xf32, #tpu.memory_space<vmem>>, vector<512x64xf32>
    %mul3A = arith.mulf %get3A_1, %get3A_1 : vector<512x64xf32>
    %reduce_sum3A = arith.constant dense<0.000000e+00> : vector<512xf32>
    %reduce_sum3A_2 = vector.multi_reduction <add>, %mul3A, %reduce_sum3A [1] : vector<512x64xf32> to vector<512xf32>
    %broadcast_in_dim3A = vector.shape_cast %reduce_sum3A_2 : vector<512xf32> to vector<512x1xf32>
    %mul3A_3 = arith.constant 2.000000e+00 : f32
    %mul3A_4 = vector.broadcast %mul3A_3 : f32 to vector<512x64xf32>
    %mul3A_5 = arith.mulf %mul3A_4, %get3A_1 : vector<512x64xf32>
    %convert_element_type3A = arith.truncf %mul3A_5 : vector<512x64xf32> to vector<512x64xbf16>
    %broadcast_in_dim3A_6 = arith.constant 0x7F800000 : f32
    %broadcast_in_dim3A_7 = vector.broadcast %broadcast_in_dim3A_6 : f32 to vector<512x1xf32>
    %broadcast_in_dim3A_8 = arith.constant 0.000000e+00 : f32
    %broadcast_in_dim3A_9 = vector.broadcast %broadcast_in_dim3A_8 : f32 to vector<512x1xf32>
    %broadcast_in_dim3A_10 = arith.constant 0 : i32
    %broadcast_in_dim3A_11 = vector.broadcast %broadcast_in_dim3A_10 : i32 to vector<512x1xi32>
    %get3A_12 = arith.constant 0 : index
    %get3A_13 = arith.constant 0 : index
    %get3A_14 = vector.load %arg2[%get3A_12, %get3A_13] : memref<8192x64xf32, #tpu.memory_space<vmem>>, vector<2048x64xf32>
    %convert_element_type3A_15 = arith.truncf %get3A_14 : vector<2048x64xf32> to vector<2048x64xbf16>
    %dot_general3A = arith.constant dense<0.000000e+00> : vector<512x2048xf32>
    %dot_general3A_16 = tpu.matmul %convert_element_type3A, %convert_element_type3A_15, %dot_general3A {dimension_numbers = #tpu.dot_dimension_numbers<[1], [1], [0], [0], [0, 0, 1, 0], [], []>, transpose_lhs_hint = false} : vector<512x64xbf16>, vector<2048x64xbf16>, vector<512x2048xf32> -> vector<512x2048xf32>
    %mul3A_17 = arith.mulf %get3A_14, %get3A_14 : vector<2048x64xf32>
    %reduce_sum3A_18 = arith.constant dense<0.000000e+00> : vector<2048xf32>
    %reduce_sum3A_19 = vector.multi_reduction <add>, %mul3A_17, %reduce_sum3A_18 [1] : vector<2048x64xf32> to vector<2048xf32>
    %sub3A = vector.broadcast %broadcast_in_dim3A : vector<512x1xf32> to vector<512x2048xf32>
    %sub3A_20 = arith.subf %sub3A, %dot_general3A_16 : vector<512x2048xf32>
    %broadcast_in_dim3A_21 = vector.shape_cast %reduce_sum3A_19 : vector<2048xf32> to vector<1x2048xf32>
    %add3A = vector.broadcast %broadcast_in_dim3A_21 : vector<1x2048xf32> to vector<512x2048xf32>
    %add3A_22 = arith.addf %sub3A_20, %add3A : vector<512x2048xf32>
    %reduce_min3A = arith.constant dense<0x7F800000> : vector<512xf32>
    %reduce_min3A_23 = vector.multi_reduction <minimumf>, %add3A_22, %reduce_min3A [1] : vector<512x2048xf32> to vector<512xf32>
    %broadcast_in_dim3A_24 = vector.shape_cast %reduce_min3A_23 : vector<512xf32> to vector<512x1xf32>
    %iota3A = tpu.iota {dimensions = array<i32: 1>} : vector<512x2048xi32>
    %add3A_25 = arith.constant 0 : i32
    %add3A_26 = vector.broadcast %add3A_25 : i32 to vector<512x2048xi32>
    %add3A_27 = arith.addi %iota3A, %add3A_26 : vector<512x2048xi32>
    %eq3A = vector.broadcast %broadcast_in_dim3A_24 : vector<512x1xf32> to vector<512x2048xf32>
    %eq3A_28 = arith.cmpf oeq, %add3A_22, %eq3A : vector<512x2048xf32>
    %jit3A = arith.constant 1073741824 : i32
    %broadcast_in_dim3A_29 = vector.broadcast %jit3A : i32 to vector<512x2048xi32>
    %select_n3A = arith.select %eq3A_28, %add3A_27, %broadcast_in_dim3A_29 : vector<512x2048xi1>, vector<512x2048xi32>
    %reduce_min3A_30 = arith.constant dense<2147483647> : vector<512xi32>
    %reduce_min3A_31 = vector.multi_reduction <minsi>, %select_n3A, %reduce_min3A_30 [1] : vector<512x2048xi32> to vector<512xi32>
    %broadcast_in_dim3A_32 = vector.shape_cast %reduce_min3A_31 : vector<512xi32> to vector<512x1xi32>
    %lt3A = arith.cmpf olt, %broadcast_in_dim3A_24, %broadcast_in_dim3A_7 : vector<512x1xf32>
    %convert_element_type3A_33 = arith.truncf %broadcast_in_dim3A_24 : vector<512x1xf32> to vector<512x1xbf16>
    %convert_element_type3A_34 = arith.extf %convert_element_type3A_33 : vector<512x1xbf16> to vector<512x1xf32>
    %select_n3A_35 = arith.select %lt3A, %convert_element_type3A_34, %broadcast_in_dim3A_7 : vector<512x1xi1>, vector<512x1xf32>
    %select_n3A_36 = arith.select %lt3A, %broadcast_in_dim3A_24, %broadcast_in_dim3A_9 : vector<512x1xi1>, vector<512x1xf32>
    %select_n3A_37 = arith.select %lt3A, %broadcast_in_dim3A_32, %broadcast_in_dim3A_11 : vector<512x1xi1>, vector<512x1xi32>
    %get3A_38 = arith.constant 2048 : index
    %get3A_39 = arith.constant 0 : index
    %get3A_40 = vector.load %arg2[%get3A_38, %get3A_39] : memref<8192x64xf32, #tpu.memory_space<vmem>>, vector<2048x64xf32>
    %convert_element_type3A_41 = arith.truncf %get3A_40 : vector<2048x64xf32> to vector<2048x64xbf16>
    %dot_general3A_42 = arith.constant dense<0.000000e+00> : vector<512x2048xf32>
    %dot_general3A_43 = tpu.matmul %convert_element_type3A, %convert_element_type3A_41, %dot_general3A_42 {dimension_numbers = #tpu.dot_dimension_numbers<[1], [1], [0], [0], [0, 0, 1, 0], [], []>, transpose_lhs_hint = false} : vector<512x64xbf16>, vector<2048x64xbf16>, vector<512x2048xf32> -> vector<512x2048xf32>
    %mul3A_44 = arith.mulf %get3A_40, %get3A_40 : vector<2048x64xf32>
    %reduce_sum3A_45 = arith.constant dense<0.000000e+00> : vector<2048xf32>
    %reduce_sum3A_46 = vector.multi_reduction <add>, %mul3A_44, %reduce_sum3A_45 [1] : vector<2048x64xf32> to vector<2048xf32>
    %sub3A_47 = vector.broadcast %broadcast_in_dim3A : vector<512x1xf32> to vector<512x2048xf32>
    %sub3A_48 = arith.subf %sub3A_47, %dot_general3A_43 : vector<512x2048xf32>
    %broadcast_in_dim3A_49 = vector.shape_cast %reduce_sum3A_46 : vector<2048xf32> to vector<1x2048xf32>
    %add3A_50 = vector.broadcast %broadcast_in_dim3A_49 : vector<1x2048xf32> to vector<512x2048xf32>
    %add3A_51 = arith.addf %sub3A_48, %add3A_50 : vector<512x2048xf32>
    %reduce_min3A_52 = arith.constant dense<0x7F800000> : vector<512xf32>
    %reduce_min3A_53 = vector.multi_reduction <minimumf>, %add3A_51, %reduce_min3A_52 [1] : vector<512x2048xf32> to vector<512xf32>
    %broadcast_in_dim3A_54 = vector.shape_cast %reduce_min3A_53 : vector<512xf32> to vector<512x1xf32>
    %iota3A_55 = tpu.iota {dimensions = array<i32: 1>} : vector<512x2048xi32>
    %add3A_56 = arith.constant 2048 : i32
    %add3A_57 = vector.broadcast %add3A_56 : i32 to vector<512x2048xi32>
    %add3A_58 = arith.addi %iota3A_55, %add3A_57 : vector<512x2048xi32>
    %eq3A_59 = vector.broadcast %broadcast_in_dim3A_54 : vector<512x1xf32> to vector<512x2048xf32>
    %eq3A_60 = arith.cmpf oeq, %add3A_51, %eq3A_59 : vector<512x2048xf32>
    %jit3A_61 = arith.constant 1073741824 : i32
    %broadcast_in_dim3A_62 = vector.broadcast %jit3A_61 : i32 to vector<512x2048xi32>
    %select_n3A_63 = arith.select %eq3A_60, %add3A_58, %broadcast_in_dim3A_62 : vector<512x2048xi1>, vector<512x2048xi32>
    %reduce_min3A_64 = arith.constant dense<2147483647> : vector<512xi32>
    %reduce_min3A_65 = vector.multi_reduction <minsi>, %select_n3A_63, %reduce_min3A_64 [1] : vector<512x2048xi32> to vector<512xi32>
    %broadcast_in_dim3A_66 = vector.shape_cast %reduce_min3A_65 : vector<512xi32> to vector<512x1xi32>
    %lt3A_67 = arith.cmpf olt, %broadcast_in_dim3A_54, %select_n3A_35 : vector<512x1xf32>
    %convert_element_type3A_68 = arith.truncf %broadcast_in_dim3A_54 : vector<512x1xf32> to vector<512x1xbf16>
    %convert_element_type3A_69 = arith.extf %convert_element_type3A_68 : vector<512x1xbf16> to vector<512x1xf32>
    %select_n3A_70 = arith.select %lt3A_67, %convert_element_type3A_69, %select_n3A_35 : vector<512x1xi1>, vector<512x1xf32>
    %select_n3A_71 = arith.select %lt3A_67, %broadcast_in_dim3A_54, %select_n3A_36 : vector<512x1xi1>, vector<512x1xf32>
    %select_n3A_72 = arith.select %lt3A_67, %broadcast_in_dim3A_66, %select_n3A_37 : vector<512x1xi1>, vector<512x1xi32>
    %get3A_73 = arith.constant 4096 : index
    %get3A_74 = arith.constant 0 : index
    %get3A_75 = vector.load %arg2[%get3A_73, %get3A_74] : memref<8192x64xf32, #tpu.memory_space<vmem>>, vector<2048x64xf32>
    %convert_element_type3A_76 = arith.truncf %get3A_75 : vector<2048x64xf32> to vector<2048x64xbf16>
    %dot_general3A_77 = arith.constant dense<0.000000e+00> : vector<512x2048xf32>
    %dot_general3A_78 = tpu.matmul %convert_element_type3A, %convert_element_type3A_76, %dot_general3A_77 {dimension_numbers = #tpu.dot_dimension_numbers<[1], [1], [0], [0], [0, 0, 1, 0], [], []>, transpose_lhs_hint = false} : vector<512x64xbf16>, vector<2048x64xbf16>, vector<512x2048xf32> -> vector<512x2048xf32>
    %mul3A_79 = arith.mulf %get3A_75, %get3A_75 : vector<2048x64xf32>
    %reduce_sum3A_80 = arith.constant dense<0.000000e+00> : vector<2048xf32>
    %reduce_sum3A_81 = vector.multi_reduction <add>, %mul3A_79, %reduce_sum3A_80 [1] : vector<2048x64xf32> to vector<2048xf32>
    %sub3A_82 = vector.broadcast %broadcast_in_dim3A : vector<512x1xf32> to vector<512x2048xf32>
    %sub3A_83 = arith.subf %sub3A_82, %dot_general3A_78 : vector<512x2048xf32>
    %broadcast_in_dim3A_84 = vector.shape_cast %reduce_sum3A_81 : vector<2048xf32> to vector<1x2048xf32>
    %add3A_85 = vector.broadcast %broadcast_in_dim3A_84 : vector<1x2048xf32> to vector<512x2048xf32>
    %add3A_86 = arith.addf %sub3A_83, %add3A_85 : vector<512x2048xf32>
    %reduce_min3A_87 = arith.constant dense<0x7F800000> : vector<512xf32>
    %reduce_min3A_88 = vector.multi_reduction <minimumf>, %add3A_86, %reduce_min3A_87 [1] : vector<512x2048xf32> to vector<512xf32>
    %broadcast_in_dim3A_89 = vector.shape_cast %reduce_min3A_88 : vector<512xf32> to vector<512x1xf32>
    %iota3A_90 = tpu.iota {dimensions = array<i32: 1>} : vector<512x2048xi32>
    %add3A_91 = arith.constant 4096 : i32
    %add3A_92 = vector.broadcast %add3A_91 : i32 to vector<512x2048xi32>
    %add3A_93 = arith.addi %iota3A_90, %add3A_92 : vector<512x2048xi32>
    %eq3A_94 = vector.broadcast %broadcast_in_dim3A_89 : vector<512x1xf32> to vector<512x2048xf32>
    %eq3A_95 = arith.cmpf oeq, %add3A_86, %eq3A_94 : vector<512x2048xf32>
    %jit3A_96 = arith.constant 1073741824 : i32
    %broadcast_in_dim3A_97 = vector.broadcast %jit3A_96 : i32 to vector<512x2048xi32>
    %select_n3A_98 = arith.select %eq3A_95, %add3A_93, %broadcast_in_dim3A_97 : vector<512x2048xi1>, vector<512x2048xi32>
    %reduce_min3A_99 = arith.constant dense<2147483647> : vector<512xi32>
    %reduce_min3A_100 = vector.multi_reduction <minsi>, %select_n3A_98, %reduce_min3A_99 [1] : vector<512x2048xi32> to vector<512xi32>
    %broadcast_in_dim3A_101 = vector.shape_cast %reduce_min3A_100 : vector<512xi32> to vector<512x1xi32>
    %lt3A_102 = arith.cmpf olt, %broadcast_in_dim3A_89, %select_n3A_70 : vector<512x1xf32>
    %convert_element_type3A_103 = arith.truncf %broadcast_in_dim3A_89 : vector<512x1xf32> to vector<512x1xbf16>
    %convert_element_type3A_104 = arith.extf %convert_element_type3A_103 : vector<512x1xbf16> to vector<512x1xf32>
    %select_n3A_105 = arith.select %lt3A_102, %convert_element_type3A_104, %select_n3A_70 : vector<512x1xi1>, vector<512x1xf32>
    %select_n3A_106 = arith.select %lt3A_102, %broadcast_in_dim3A_89, %select_n3A_71 : vector<512x1xi1>, vector<512x1xf32>
    %select_n3A_107 = arith.select %lt3A_102, %broadcast_in_dim3A_101, %select_n3A_72 : vector<512x1xi1>, vector<512x1xi32>
    %get3A_108 = arith.constant 6144 : index
    %get3A_109 = arith.constant 0 : index
    %get3A_110 = vector.load %arg2[%get3A_108, %get3A_109] : memref<8192x64xf32, #tpu.memory_space<vmem>>, vector<2048x64xf32>
    %convert_element_type3A_111 = arith.truncf %get3A_110 : vector<2048x64xf32> to vector<2048x64xbf16>
    %dot_general3A_112 = arith.constant dense<0.000000e+00> : vector<512x2048xf32>
    %dot_general3A_113 = tpu.matmul %convert_element_type3A, %convert_element_type3A_111, %dot_general3A_112 {dimension_numbers = #tpu.dot_dimension_numbers<[1], [1], [0], [0], [0, 0, 1, 0], [], []>, transpose_lhs_hint = false} : vector<512x64xbf16>, vector<2048x64xbf16>, vector<512x2048xf32> -> vector<512x2048xf32>
    %mul3A_114 = arith.mulf %get3A_110, %get3A_110 : vector<2048x64xf32>
    %reduce_sum3A_115 = arith.constant dense<0.000000e+00> : vector<2048xf32>
    %reduce_sum3A_116 = vector.multi_reduction <add>, %mul3A_114, %reduce_sum3A_115 [1] : vector<2048x64xf32> to vector<2048xf32>
    %sub3A_117 = vector.broadcast %broadcast_in_dim3A : vector<512x1xf32> to vector<512x2048xf32>
    %sub3A_118 = arith.subf %sub3A_117, %dot_general3A_113 : vector<512x2048xf32>
    %broadcast_in_dim3A_119 = vector.shape_cast %reduce_sum3A_116 : vector<2048xf32> to vector<1x2048xf32>
    %add3A_120 = vector.broadcast %broadcast_in_dim3A_119 : vector<1x2048xf32> to vector<512x2048xf32>
    %add3A_121 = arith.addf %sub3A_118, %add3A_120 : vector<512x2048xf32>
    %reduce_min3A_122 = arith.constant dense<0x7F800000> : vector<512xf32>
    %reduce_min3A_123 = vector.multi_reduction <minimumf>, %add3A_121, %reduce_min3A_122 [1] : vector<512x2048xf32> to vector<512xf32>
    %broadcast_in_dim3A_124 = vector.shape_cast %reduce_min3A_123 : vector<512xf32> to vector<512x1xf32>
    %iota3A_125 = tpu.iota {dimensions = array<i32: 1>} : vector<512x2048xi32>
    %add3A_126 = arith.constant 6144 : i32
    %add3A_127 = vector.broadcast %add3A_126 : i32 to vector<512x2048xi32>
    %add3A_128 = arith.addi %iota3A_125, %add3A_127 : vector<512x2048xi32>
    %eq3A_129 = vector.broadcast %broadcast_in_dim3A_124 : vector<512x1xf32> to vector<512x2048xf32>
    %eq3A_130 = arith.cmpf oeq, %add3A_121, %eq3A_129 : vector<512x2048xf32>
    %jit3A_131 = arith.constant 1073741824 : i32
    %broadcast_in_dim3A_132 = vector.broadcast %jit3A_131 : i32 to vector<512x2048xi32>
    %select_n3A_133 = arith.select %eq3A_130, %add3A_128, %broadcast_in_dim3A_132 : vector<512x2048xi1>, vector<512x2048xi32>
    %reduce_min3A_134 = arith.constant dense<2147483647> : vector<512xi32>
    %reduce_min3A_135 = vector.multi_reduction <minsi>, %select_n3A_133, %reduce_min3A_134 [1] : vector<512x2048xi32> to vector<512xi32>
    %broadcast_in_dim3A_136 = vector.shape_cast %reduce_min3A_135 : vector<512xi32> to vector<512x1xi32>
    %lt3A_137 = arith.cmpf olt, %broadcast_in_dim3A_124, %select_n3A_105 : vector<512x1xf32>
    %select_n3A_138 = arith.select %lt3A_137, %broadcast_in_dim3A_124, %select_n3A_106 : vector<512x1xi1>, vector<512x1xf32>
    %select_n3A_139 = arith.select %lt3A_137, %broadcast_in_dim3A_136, %select_n3A_107 : vector<512x1xi1>, vector<512x1xi32>
    %swap3A = arith.constant 0 : index
    %swap3A_140 = arith.constant 0 : index
    %swap3A_141 = vector.load %arg3[%swap3A, %swap3A_140] : memref<512x1xi32, #tpu.memory_space<vmem>>, vector<512x1xi32>
    tpu.vector_store %arg3[%swap3A, %swap3A_140], %select_n3A_139 {strides = array<i32>} : memref<512x1xi32, #tpu.memory_space<vmem>>, vector<512x1xi32>,
    %eq3A_142 = arith.constant 0 : i32
    %eq3A_143 = arith.cmpi eq, %arg0, %eq3A_142 : i32
    %convert_element_type3A_144 = arith.extui %eq3A_143 : i1 to i32
    %cond3A = arith.constant 0 : i32
    %cond3A_145 = arith.cmpi ne, %convert_element_type3A_144, %cond3A : i32
    scf.if %cond3A_145 {
      %broadcast_in_dim3A_164 = arith.constant 0.000000e+00 : f32
      %broadcast_in_dim3A_165 = vector.broadcast %broadcast_in_dim3A_164 : f32 to vector<1x1xf32>
      %swap3A_166 = arith.constant 0 : index
      %swap3A_167 = arith.constant 0 : index
      %swap3A_168 = vector.load %arg4[%swap3A_166, %swap3A_167] : memref<1x1xf32, #tpu.memory_space<vmem>>, vector<1x1xf32>
      tpu.vector_store %arg4[%swap3A_166, %swap3A_167], %broadcast_in_dim3A_165 {strides = array<i32>} : memref<1x1xf32, #tpu.memory_space<vmem>>, vector<1x1xf32>,
    } else {
    }
    %get3A_146 = arith.constant 0 : index
    %get3A_147 = arith.constant 0 : index
    %get3A_148 = vector.load %arg4[%get3A_146, %get3A_147] : memref<1x1xf32, #tpu.memory_space<vmem>>, vector<1x1xf32>
    %reduce_sum3A_149 = vector.shape_cast %select_n3A_138 : vector<512x1xf32> to vector<1x512x1xf32>
    %reduce_sum3A_150 = arith.constant dense<0.000000e+00> : vector<1xf32>
    %reduce_sum3A_151 = vector.multi_reduction <add>, %reduce_sum3A_149, %reduce_sum3A_150 [1, 2] : vector<1x512x1xf32> to vector<1xf32>
    %reduce_sum3A_152 = vector.shape_cast %reduce_sum3A_151 : vector<1xf32> to vector<1x1x1xf32>
    %reduce_sum3A_153 = vector.extract %reduce_sum3A_152[0, 0, 0] : f32 from vector<1x1x1xf32>
    %broadcast_in_dim3A_154 = vector.broadcast %reduce_sum3A_153 : f32 to vector<1x1xf32>
    %add3A_155 = arith.addf %get3A_148, %broadcast_in_dim3A_154 : vector<1x1xf32>
    %swap3A_156 = arith.constant 0 : index
    %swap3A_157 = arith.constant 0 : index
    %swap3A_158 = vector.load %arg4[%swap3A_156, %swap3A_157] : memref<1x1xf32, #tpu.memory_space<vmem>>, vector<1x1xf32>
    tpu.vector_store %arg4[%swap3A_156, %swap3A_157], %add3A_155 {strides = array<i32>} : memref<1x1xf32, #tpu.memory_space<vmem>>, vector<1x1xf32>,
    %eq3A_159 = arith.constant 15 : i32
    %eq3A_160 = arith.cmpi eq, %arg0, %eq3A_159 : i32
    %convert_element_type3A_161 = arith.extui %eq3A_160 : i1 to i32
    %cond3A_162 = arith.constant 0 : i32
    %cond3A_163 = arith.cmpi ne, %convert_element_type3A_161, %cond3A_162 : i32
    scf.if %cond3A_163 {
      %get3A_164 = arith.constant 0 : index
      %get3A_165 = arith.constant 0 : index
      %get3A_166 = vector.load %arg4[%get3A_164, %get3A_165] : memref<1x1xf32, #tpu.memory_space<vmem>>, vector<1x1xf32>
      %mul3A_167 = arith.constant 3.81469727E-6 : f32
      %mul3A_168 = vector.broadcast %mul3A_167 : f32 to vector<1x1xf32>
      %mul3A_169 = arith.mulf %get3A_166, %mul3A_168 : vector<1x1xf32>
      %swap3A_170 = arith.constant 0 : index
      %swap3A_171 = arith.constant 0 : index
      %swap3A_172 = vector.load %arg4[%swap3A_170, %swap3A_171] : memref<1x1xf32, #tpu.memory_space<vmem>>, vector<1x1xf32>
      tpu.vector_store %arg4[%swap3A_170, %swap3A_171], %mul3A_169 {strides = array<i32>} : memref<1x1xf32, #tpu.memory_space<vmem>>, vector<1x1xf32>,
    } else {
    }
    return
  }
  func.func @transform_0(%arg0: i32) -> (i32, i32) {
    %c0_i32 = arith.constant 0 : i32
    %c0_i32_0 = arith.constant 0 : i32
    return %arg0, %c0_i32 : i32, i32
  }
  func.func @transform_1(%arg0: i32) -> (i32, i32) {
    %c0_i32 = arith.constant 0 : i32
    %c0_i32_0 = arith.constant 0 : i32
    %c0_i32_1 = arith.constant 0 : i32
    return %c0_i32, %c0_i32_0 : i32, i32
  }
  func.func @transform_2(%arg0: i32) -> (i32, i32) {
    %c0_i32 = arith.constant 0 : i32
    %c0_i32_0 = arith.constant 0 : i32
    return %arg0, %c0_i32 : i32, i32
  }
  func.func @transform_3(%arg0: i32) -> (i32, i32) {
    %c0_i32 = arith.constant 0 : i32
    %c0_i32_0 = arith.constant 0 : i32
    %c0_i32_1 = arith.constant 0 : i32
    return %c0_i32, %c0_i32_0 : i32, i32
  }
}

</mosaic_0001>

<sc_bundles>
// kernel: kernel.4.cloned.1.call-start
scs
__scs_entry_jumppad:
0x0: {  	(pc) =	sbr.rel $0x88, $3  }
0x1: {  	(tag) =	ssettag $0x0;
	lr =	simm.s32 $0x1  }
0x2: {  	[smem:$0x3F9F] =	sst lr;
	_ =	strace $0xD0000000  }
0x3: {  	_ = 	snop  }
0x4: {  	_ = 	snop  }
0x5: {  	_ = 	snop  }
0x6: {  	_ = 	snop  }
0x7: {  	_ = 	snop  }
__scs_overlays_trampoline_lowered:
0x8: {  	[smem:$0x3FAE] =	sst s0  }
0x9: {  	[smem:$0x3FAF] =	sst s1  }
0xa: {  	[smem:$0x3FB0] =	sst s2  }
0xb: {  	[smem:$0x3FB1] =	sst s3  }
0xc: {  	[smem:$0x3FB2] =	sst s4  }
0xd: {  	[smem:$0x3FB3] =	sst s5  }
0xe: {  	[smem:$0x3FB4] =	sst s6  }
0xf: {  	[smem:$0x3FB5] =	sst s7  }
0x10: {  	[smem:$0x3FB6] =	sst s8  }
0x11: {  	[smem:$0x3FB7] =	sst s9;
	s0 =	simm.s32 @!p0 $0x0  }
0x12: {  	s1 =	sld [smem:$0x3F9D];
	s0 =	simm.s32 @p0 $0x1  }
0x13: {  	[smem:$0x3FB8] =	sst s0;
	s0 =	simm.s32 @!p1 $0x0  }
0x14: {  	s2 =	sld [smem:$0x3F9C];
	s0 =	simm.s32 @p1 $0x1  }
0x15: {  	[smem:$0x3FB9] =	sst s0;
	s0 =	simm.s32 @!p2 $0x0  }
0x16: {  	s3 =	sld [smem:$0x3FDB];
	s0 =	simm.s32 @p2 $0x1  }
0x17: {  	s4 =	simm.s32 $0x1BF5;
	[smem:$0x3FBB] =	sst s0  }
0x18: {  	s0 =	sld [smem:$0x3F9E];
	_ =	swait.ge [sflag:s4], $0x0  }
0x19: {  	s7 =	sld [smem:$0x3F9F]  }
0x1a: {  	s8 =	sadd.s32 $0xFFFFE003, lr  }
0x1b: {  	s9 =	sadd.s32 $0xFFFFFEF7, lr;
	s5 =	simm.s32 $0xFFFFFFFF;
	p2 =	slt.u32 s8, $0xFFFFF086  }
0x1c: {  	p1 =	slt.u32 s9, $0xF7A;
	s5 =	simm.s32 @!p2 $0x0  }
0x1d: {  	s5 =	simm.s32 @p1 $0x1;
	p0 =	seq.s32 s7, s2  }
0x1e: {  	s7 =	smul.u32 @!p0 $0xF7A, s2;
	p2 =	seq.s32 @!p0 s5, $0x0  }
0x1f: {  	s9 =	smul.u32 $0xF7A, s1;
	s8 =	simm.s32 @!p0 $0x1BF5;
	p2 =	por !p2, p0  }
0x20: {  	[sflag:s8] =	ssyncset.s32 @!p0 $0xFFFFF086;
	s6 =	sadd.s32 @!p0 s3, s7;
	s7 =	simm.s32 @!p0 $0x108  }
0x21: {  	s3 =	sadd.s32 s3, s9;
	s6 =	sadd.s32 @!p0 $0x88, s6;
	s7 =	simm.s32 @p2 $0x1082  }
0x22: {  	[simem:s7], [sflag:s8] =	dma.local @!p0 [hbm:s6], $0xF7A  }
0x23: {  	s9 =	sor.u32 $0xD0000000, s2;
	s6 =	simm.s32 $0x108;
	_ =	swait.ge @!p0 [sflag:s8], $0x0  }
0x24: {  	s3 =	sadd.s32 $0x88, s3;
	s6 =	simm.s32 @!p1 $0x1082;
	[sflag:s4] =	ssyncset.s32 $0xFFFFF086  }
0x25: {  	[simem:s6], [sflag:s4] =	dma.local [hbm:s3], $0xF7A  }
0x26: {  	[smem:$0x3F9F] =	sst s1;
	(tag) =	ssettag s2;
	_ =	strace s9  }
0x27: {  	s1 =	sld [smem:$0x3FAF]  }
0x28: {  	s2 =	sld [smem:$0x3FB0]  }
0x29: {  	s4 =	sld [smem:$0x3FB2]  }
0x2a: {  	p0 =	seq.s32 s5, $0x0;
	s5 =	sld [smem:$0x3FB3]  }
0x2b: {  	s6 =	sld [smem:$0x3FB4]  }
0x2c: {  	s7 =	sld [smem:$0x3FB5]  }
0x2d: {  	s3 =	simm.s32 $0x108;
	s8 =	sld [smem:$0x3FB6]  }
0x2e: {  	s3 =	simm.s32 @!p0 $0x1082;
	s9 =	sld [smem:$0x3FB7]  }
0x2f: {  	lr =	sadd.s32 s0, s3;
	s0 =	sld [smem:$0x3FAE]  }
0x30: {  	s3 =	sld [smem:$0x3FB1]  }
0x31: {  	[smem:$0x3FBA] =	sst s10  }
0x32: {  	s10 =	sld [smem:$0x3FB8];
	_ =	sdelay $0x3  }
0x33: {  	p0 =	seq.s32 s10, $0x1;
	s10 =	sld [smem:$0x3FBA];
	_ =	sdelay $0x3  }
0x34: {  	[smem:$0x3FBA] =	sst s10  }
0x35: {  	s10 =	sld [smem:$0x3FB9];
	_ =	sdelay $0x3  }
0x36: {  	p1 =	seq.s32 s10, $0x1;
	s10 =	sld [smem:$0x3FBA];
	_ =	sdelay $0x3  }
0x37: {  	[smem:$0x3FBA] =	sst s10  }
0x38: {  	s10 =	sld [smem:$0x3FBB]  }
0x39: {  	_ = 	snop;
	(pc) =	sbr.ind lr, $3  }
0x3a: {  	_ = 	snop  }
0x3b: {  	_ = 	snop  }
0x3c: {  	p2 =	seq.s32 s10, $0x1;
	s10 =	sld [smem:$0x3FBA]  }
0x3d: {  	_ =	shalt  }
0x3e: {  	_ =	shalt  }
0x3f: {  	_ =	shalt  }
0x40: {  	_ =	shalt  }
0x41: {  	_ =	shalt  }
0x42: {  	_ =	shalt  }
0x43: {  	_ =	shalt  }
0x44: {  	_ =	shalt  }
0x45: {  	_ =	shalt  }
0x46: {  	_ =	shalt  }
0x47: {  	_ =	shalt  }
0x48: {  	_ =	shalt  }
0x49: {  	_ =	shalt  }
0x4a: {  	_ =	shalt  }
0x4b: {  	_ =	shalt  }
0x4c: {  	_ =	shalt  }
0x4d: {  	_ =	shalt  }
0x4e: {  	_ =	shalt  }
0x4f: {  	_ =	shalt  }
0x50: {  	_ =	shalt  }
0x51: {  	_ =	shalt  }
0x52: {  	_ =	shalt  }
0x53: {  	_ =	shalt  }
0x54: {  	_ =	shalt  }
0x55: {  	_ =	shalt  }
0x56: {  	_ =	shalt  }
0x57: {  	_ =	shalt  }
0x58: {  	_ =	shalt  }
0x59: {  	_ =	shalt  }
0x5a: {  	_ =	shalt  }
0x5b: {  	_ =	shalt  }
0x5c: {  	_ =	shalt  }
0x5d: {  	_ =	shalt  }
0x5e: {  	_ =	shalt  }
0x5f: {  	_ =	shalt  }
0x60: {  	_ =	shalt  }
0x61: {  	_ =	shalt  }
0x62: {  	_ =	shalt  }
0x63: {  	_ =	shalt  }
0x64: {  	_ =	shalt  }
0x65: {  	_ =	shalt  }
0x66: {  	_ =	shalt  }
0x67: {  	_ =	shalt  }
0x68: {  	_ =	shalt  }
0x69: {  	_ =	shalt  }
0x6a: {  	_ =	shalt  }
0x6b: {  	_ =	shalt  }
0x6c: {  	_ =	shalt  }
0x6d: {  	_ =	shalt  }
0x6e: {  	_ =	shalt  }
0x6f: {  	_ =	shalt  }
0x70: {  	_ =	shalt  }
0x71: {  	_ =	shalt  }
0x72: {  	_ =	shalt  }
0x73: {  	_ =	shalt  }
0x74: {  	_ =	shalt  }
0x75: {  	_ =	shalt  }
0x76: {  	_ =	shalt  }
0x77: {  	_ =	shalt  }
0x78: {  	_ =	shalt  }
0x79: {  	_ =	shalt  }
0x7a: {  	_ =	shalt  }
0x7b: {  	_ =	shalt  }
0x7c: {  	_ =	shalt  }
0x7d: {  	_ =	shalt  }
0x7e: {  	_ =	shalt  }
0x7f: {  	_ =	shalt  }
0x80: {  	_ =	shalt  }
0x81: {  	_ =	shalt  }
0x82: {  	_ =	shalt  }
0x83: {  	_ =	shalt  }
0x84: {  	_ =	shalt  }
0x85: {  	_ =	shalt  }
0x86: {  	_ =	shalt  }
0x87: {  	_ =	shalt  }
.Lfunc_end0:
.L_simem_size_0:
called_computation_lowered:
.L_overlay_start_0:
0x88: {  	s2 =	sld [smem:$0x3FD9]  }
0x89: {  	s3 =	sld [smem:$0x3FFE];
	_ =	sdelay $0x1  }
0x8a: {  	s1 =	srdreg.scid  }
0x8b: {  	s0 =	sand.u32 $0x1, s1  }
0x8c: {  	s14 =	sshll.u32 s0, $0xA;
	s2 =	sadd.s32 s3, s2  }
0x8d: {  	s2 =	sadd.s32 s2, s14  }
0x8e: {  	[smem:$0x3FC6] =	sst s2  }
0x8f: {  	_ = 	snop  }
0x90: {  	s2 =	sld [smem:$0x3FD0];
	_ =	sdelay $0x2  }
0x91: {  	s15 =	simm.s32 $0xA;
	s4 =	simm.s32 $0x10  }
0x92: {  	[smem:s4], [sflag:s15] =	dma.local [hbm:s2], $0x1  }
0x93: {  	_ =	swait.eq [sflag:s15], $0x1  }
0x94: {  	[sflag:s15] =	ssyncset.done $0x0  }
0x95: {  	[sflag:s15] =	ssyncadd.s32 $0xFFFFFFFF  }
0x96: {  	s16 =	sld [smem:$0x10];
	(tm) =	ssettm $0x1  }
0x97: {  	s17 =	sld [smem:$0x3FFB];
	_ =	sdelay $0x3  }
0x98: {  	_ =	strace s17  }
0x99: {  	s3 =	sld [smem:$0x3FFC];
	_ =	sdelay $0x3  }
0x9a: {  	_ =	strace s3  }
0x9b: {  	s3 =	sld [smem:$0x3FFD];
	_ =	sdelay $0x3  }
0x9c: {  	_ =	strace s3  }
0x9d: {  	_ =	strace $0x8FFFFFFF  }
0x9e: {  	s18 =	sld [smem:$0x3FDB];
	_ =	sdelay $0x1  }
0x9f: {  	s19 =	simm.s32 $_scs_section_size  }
0xa0: {  	s5 =	simm.s32 $_size__tile_overlayer_lowered;
	s6 =	simm.s32 $_tile_overlayer_lowered  }
0xa1: {  	s22 =	simm.s32 $0x1BFF;
	s21 =	sshll.u32 s6, $0x1;
	s3 =	sadd.s32 s19, s18  }
0xa2: {  	s7 =	simm.s32 $0x0;
	s20 =	sshll.u32 s5, $0x1;
	s5 =	sadd.s32 s21, s3  }
0xa3: {  	[timem:s7], [sflag:s22] =	dma.local [hbm:s5], s20  }
0xa4: {  	_ =	swait.ge [sflag:s22], s20  }
0xa5: {  	s4 =	ssub.s32 $0x0, s20;
	[sflag:s22] =	ssyncset.done $0x0  }
0xa6: {  	[sflag:s22] =	ssyncadd.s32 s4;
	_ =	sdelay $0x1  }
0xa7: {  	s23 =	simm.s32 $0x1B8B  }
0xa8: {  	_ =	swait.ge [sflag:s23], $0x1  }
0xa9: {  	[sflag:s23] =	ssyncset.done $0x0  }
0xaa: {  	s25 =	simm.s32 $0x1B8E;
	s24 =	sld [smem:$0x3FFE];
	[sflag:s23] =	ssyncadd.s32 $0xFFFFFFFF  }
0xab: {  	s26 =	simm.s32 $execute0_lowered;
	[smem:$0x3FD2] =	sst s25  }
0xac: {  	s5 =	sshll.u32 s26, $0x1;
	_ =	strace $0x80000046;
	[dreg:$0x1] =	wrdreg $0xFFFFFFFF  }
0xad: {  	s28 =	simm.s32 $_size_execute0_lowered;
	s3 =	sadd.s32 s3, s5;
	[dreg:$0x0] =	wrdreg $0x0  }
0xae: {  	s5 =	sshll.u32 s28, $0x1;
	[dreg:$0x2] =	wrdreg s3  }
0xaf: {  	[dreg:$0x3] =	wrdreg s5  }
0xb0: {  	[dreg:$0x4] =	wrdreg $0xC0  }
0xb1: {  	_ =	task [dreg:s7], $0x5FFFF  }
0xb2: {  	[dreg:$0x1] =	wrdreg $0xFFFFFFFF  }
0xb3: {  	[dreg:$0x0] =	wrdreg $0x60  }
0xb4: {  	[dreg:$0x2] =	wrdreg s16  }
0xb5: {  	[dreg:$0x3] =	wrdreg s24  }
0xb6: {  	[dreg:$0x4] =	wrdreg $0x9  }
0xb7: {  	_ =	task.clear_ibuf [dreg:s7], $0x5FFFF;
	_ =	strace $0x90000046  }
0xb8: {  	s29 =	simm.s32 $0x9;
	_ =	strace $0x80000048  }
0xb9: {  	_ =	swait.ge [sflag:s29], $0x1  }
0xba: {  	[sflag:s29] =	ssyncadd.s32 $0xFFFFFFFF  }
0xbb: {  	_ =	strace $0x90000048  }
0xbc: {  	_ =	sfence  }
0xbd: {  	s30 =	sld [smem:$0x0];
	_ =	sdelay $0x2  }
0xbe: {  	s31 =	sshll.u32 s1, $0xD;
	s1 =	sshrl.u32 s1, $0x2  }
0xbf: {  	s3 =	sand.u32 $0x4000, s31;
	s1 =	sadd.s32 s1, s30  }
0xc0: {  	s0 =	sor.u32 s3, s0;
	s1 =	sshll.u32 s1, $0x11  }
0xc1: {  	s0 =	sor.u32 s1, s0  }
0xc2: {  	s0 =	sadd.s32 $0x8F2B, s0  }
0xc3: {  	[sflag:s0] =	ssyncadd.remote.s32 $0x1  }
0xc4: {  	_ =	sfence.sel $0xFFFF  }
0xc5: {  	[dreg:$0x0] =	wrdreg $0xFFFFFFFF;
	(pc) =	sbr.abs _section_cstart, $3  }
0xc6: {  	[dreg:$0x1] =	wrdreg $0xFFFFFFFF  }
0xc7: {  	_ =	task.clear_ibuf [dreg:s7], $0x2FFFF;
	_ =	strace $0x9FFFFFFF  }
0xc8: {  	(tm) =	ssettm $0x7FFFFFFF  }
0xc9: {  	_ =	shalt  }
tec
execute0_lowered:
.L_overlay_start_1:
0x0: {  	(tag) =	ssettag $0x1  }
0x1: {  	s1 =	srdreg.scid  }
0x2: {  	s2 =	rddreg [dreg:$0x0];
	s0 =	stileid.u32;
	s10 =	sand.u32 $0x1, s1  }
0x3: {  	s8 =	rddreg [dreg:$0x1];
	s4 =	sshll.u32 s0, $0x9;
	s5 =	sshll.u32 s10, $0x8  }
0x4: {  	s3 =	simm.s32 $0x0;
	s1 =	rddreg [dreg:$0x2];
	s9 =	sor.u32 s5, s4  }
0x5: {  	[smem:$0x7FF] =	sst s3;
	s11 =	sadd.s32 $0x600, s8;
	s4 =	sshrl.u32 s9, $0x3  }
0x6: {  	_ =	strace $0x80000047;
	s5 =	sadd.s32 s11, s4;
	s4 =	simm.s32 $0x2  }
0x7: {  	[tilespmem:s3], [sflag:$0x2] =	stream.linear.gather [hbm4b:s5+s3], $0x80, $0x38;
	[tilespmem:$0x2080] =	vst v63  }
0x8: {  	_ =	swait.ge [sflag:s4], $0x80  }
0x9: {  	[sflag:s4] =	ssyncset.done $0x0  }
0xa: {  	s6 =	simm.s32 $0x80;
	s7 =	simm.s32 $0x1;
	[sflag:s4] =	ssyncadd.s32 $0xFFFFFF80  }
0xb: {  	[tilespmem:s6], [sflag:$0x1] =	stream.indirect.gather [hbm4b:s2+s6], $0x40, s3, s6, $0xb8;
	[tilespmem:$0x2080] =	vst v63  }
0xc: {  	_ =	swait.ge [sflag:s7], $0x2000  }
0xd: {  	s12 =	sadd.s32 $0xA00, s8;
	s29 =	sshll.u32 s9, $0x3;
	[sflag:s7] =	ssyncset.done $0x0  }
0xe: {  	s8 =	sadd.s32 s12, s29;
	[sflag:s7] =	ssyncadd.s32 $0xFFFFE000  }
0xf: {  	[hbm4b:s8+s3] =	stream.linear.scatter [tilespmem:s6], [sflag:$0x2], $0x2000, $0x38;
	[tilespmem:$0x2080] =	vst v63  }
0x10: {  	s13 =	sor.u32 $0x80, s9;
	_ =	swait.ge [sflag:s4], $0x2000  }
0x11: {  	s9 =	sshrl.u32 s13, $0x3;
	[sflag:s4] =	ssyncset.done $0x0  }
0x12: {  	s10 =	ssub.s32 $0x2, s10;
	s9 =	sadd.s32 s11, s9;
	[sflag:s4] =	ssyncadd.s32 $0xFFFFE000  }
0x13: {  	[tilespmem:s3], [sflag:$0x2] =	stream.linear.gather [hbm4b:s9+s3], $0x80, $0x38;
	[tilespmem:$0x2080] =	vst v63  }
0x14: {  	s30 =	sshrl.u32 s10, $0x1;
	_ =	swait.ge [sflag:s4], $0x80  }
0x15: {  	s11 =	ssub.s32 s10, s30;
	[sflag:s4] =	ssyncset.done $0x0  }
0x16: {  	s11 =	smax.u32 s11, $0x1;
	[sflag:s4] =	ssyncadd.s32 $0xFFFFFF80  }
0x17: {  	[tilespmem:s6], [sflag:$0x1] =	stream.indirect.gather [hbm4b:s2+s6], $0x40, s3, s6, $0xb8;
	[tilespmem:$0x2080] =	vst v63  }
0x18: {  	p0 =	sne.s32 s11, $0x1;
	_ =	swait.ge [sflag:s7], $0x2000  }
.Ltmp0:
0x19: {  	s31 =	sshll.u32 s13, $0x3;
	[sflag:s7] =	ssyncset.done $0x0;
	(pc) =	sbr.rel @!p0 .LBB2_2-.Ltmp0, $4  }
0x1a: {  	s10 =	sadd.s32 s12, s31;
	[sflag:s7] =	ssyncadd.s32 $0xFFFFE000  }
0x1b: {  	[hbm4b:s10+s3] =	stream.linear.scatter [tilespmem:s6], [sflag:$0x2], $0x2000, $0x38;
	[tilespmem:$0x2080] =	vst v63  }
0x1c: {  	_ =	swait.ge [sflag:s4], $0x2000  }
0x1d: {  	s11 =	sadd.s32 $0xFFFFFFFF, s11;
	[sflag:s4] =	ssyncset.done $0x0  }
.LBB2_1:
0x1e: {  	p0 =	sne.s32 s11, $0x1;
	s11 =	sadd.s32 $0xFFFFFFFF, s11;
	[sflag:s4] =	ssyncadd.s32 $0xFFFFE000  }
0x1f: {  	[tilespmem:s3], [sflag:$0x2] =	stream.linear.gather [hbm4b:s5+s3], $0x80, $0x38;
	[tilespmem:$0x2080] =	vst v63  }
0x20: {  	_ =	swait.ge [sflag:s4], $0x80  }
0x21: {  	[sflag:s4] =	ssyncset.done $0x0  }
0x22: {  	[sflag:s4] =	ssyncadd.s32 $0xFFFFFF80  }
0x23: {  	[tilespmem:s6], [sflag:$0x1] =	stream.indirect.gather [hbm4b:s2+s6], $0x40, s3, s6, $0xb8;
	[tilespmem:$0x2080] =	vst v63  }
0x24: {  	_ =	swait.ge [sflag:s7], $0x2000  }
0x25: {  	[sflag:s7] =	ssyncset.done $0x0  }
0x26: {  	[sflag:s7] =	ssyncadd.s32 $0xFFFFE000  }
0x27: {  	[hbm4b:s8+s3] =	stream.linear.scatter [tilespmem:s6], [sflag:$0x2], $0x2000, $0x38;
	[tilespmem:$0x2080] =	vst v63  }
0x28: {  	_ =	swait.ge [sflag:s4], $0x2000  }
0x29: {  	[sflag:s4] =	ssyncset.done $0x0  }
0x2a: {  	[sflag:s4] =	ssyncadd.s32 $0xFFFFE000  }
0x2b: {  	[tilespmem:s3], [sflag:$0x2] =	stream.linear.gather [hbm4b:s9+s3], $0x80, $0x38;
	[tilespmem:$0x2080] =	vst v63  }
0x2c: {  	_ =	swait.ge [sflag:s4], $0x80  }
0x2d: {  	[sflag:s4] =	ssyncset.done $0x0  }
0x2e: {  	[sflag:s4] =	ssyncadd.s32 $0xFFFFFF80  }
0x2f: {  	[tilespmem:s6], [sflag:$0x1] =	stream.indirect.gather [hbm4b:s2+s6], $0x40, s3, s6, $0xb8;
	[tilespmem:$0x2080] =	vst v63  }
0x30: {  	_ =	swait.ge [sflag:s7], $0x2000  }
.Ltmp1:
0x31: {  	[sflag:s7] =	ssyncset.done $0x0;
	(pc) =	sbr.rel @p0 .LBB2_1-.Ltmp1, $4  }
0x32: {  	[sflag:s7] =	ssyncadd.s32 $0xFFFFE000  }
0x33: {  	[hbm4b:s10+s3] =	stream.linear.scatter [tilespmem:s6], [sflag:$0x2], $0x2000, $0x38;
	[tilespmem:$0x2080] =	vst v63  }
0x34: {  	_ =	swait.ge [sflag:s4], $0x2000  }
0x35: {  	[sflag:s4] =	ssyncset.done $0x0  }
.LBB2_2:
0x36: {  	[sflag:s4] =	ssyncadd.s32 $0xFFFFE000  }
0x37: {  	_ =	sfence.sel $0x180000  }
0x38: {  	[bflag:$0x0] =	sbarrier.arrive $0xFFFF  }
0x39: {  	p0 =	sne.s32 s0, $0x0;
	_ =	strace $0x90000047  }
0x3a: {  	s0 =	sadd.s32 @!p0 $0x100000, s1;
	[bflag:$0x2] =	sbarrier.arrive $0xFFFF  }
0x3b: {  	[sflag:s0] =	ssyncadd.tile.s32 @!p0 $0x1;
	_ =	shalt  }
.Lfunc_end2:
_tile_overlayer_lowered:
.L_overlay_start_2:
0x3c: {  	(tag) =	ssettag $0x2  }
0x3d: {  	s0 =	rddreg [dreg:$0x0];
	s2 =	stileid.u32  }
0x3e: {  	s1 =	rddreg [dreg:$0x1];
	p0 =	sne.s32 s2, $0x0  }
0x3f: {  	s3 =	rddreg [dreg:$0x2];
	[bflag:$0x3] =	sbarrier.arrive $0xFFFF;
	s2 =	simm.s32 @!p0 $0x1C02  }
0x40: {  	[timem:s3], [sflag:s2] =	dma.local @!p0 [hbm:s0], s1  }
0x41: {  	s0 =	simm.s32 @!p0 $0x2  }
0x42: {  	_ =	swait.ge @!p0 [sflag:s0], s1  }
0x43: {  	s1 =	ssub.s32 @!p0 $0x0, s1;
	[sflag:s0] =	ssyncset.done @!p0 $0x0  }
0x44: {  	[sflag:s0] =	ssyncadd.s32 @!p0 s1  }
0x45: {  	[bflag:$0x3] =	sbarrier.arrive $0xFFFF  }
0x46: {  	_ =	shalt  }

</sc_bundles>
